<compile_context>
chip_gen: v7x
topology: tpu7x:2x2x1
jax: 0.10.2.dev20260603
libtpu: 0.0.44.dev20260713+nightly
codegen_flags: <defaults>
</compile_context>

<pallas_src>
import functools

import jax
import jax.numpy as jnp
from jax import lax
from jax.experimental import pallas as pl
from jax.experimental.pallas import tpu as pltpu
from jax.experimental.pallas import tpu_sc as plsc

_NODE_DIM = 128
_CHUNK = 100
_N_WORKERS = 32
_ROWS_PER_W = 200


def _gather_rows_sc(table, head_idx, tail_idx):
    n_rows = 2 * head_idx.size
    half_w = _N_WORKERS // 2
    mesh = plsc.VectorSubcoreMesh(core_axis_name="c", subcore_axis_name="s")

    @functools.partial(
        pl.kernel,
        out_type=jax.ShapeDtypeStruct((n_rows, _NODE_DIM), jnp.float32),
        mesh=mesh,
        scratch_types=[
            pltpu.VMEM((2, _CHUNK), jnp.int32),
            pltpu.VMEM((_ROWS_PER_W, _NODE_DIM), jnp.float32),
            pltpu.SemaphoreType.DMA,
        ],
    )
    def gather_kernel(table_hbm, head_hbm, tail_hbm, out_hbm, idx_v, rows_v, sem):
        wid = lax.axis_index("s") * 2 + lax.axis_index("c")

        @pl.when(wid < half_w)
        def _():
            pltpu.sync_copy(head_hbm.at[pl.ds(2 * wid, 2)], idx_v)

        @pl.when(wid >= half_w)
        def _():
            pltpu.sync_copy(tail_hbm.at[pl.ds(2 * (wid - half_w), 2)], idx_v)

        copies = [
            pltpu.async_copy(table_hbm.at[idx_v.at[j]],
                             rows_v.at[pl.ds(j * _CHUNK, _CHUNK)], sem)
            for j in range(2)
        ]
        for cp in copies:
            cp.wait()
        pltpu.sync_copy(rows_v,
                        out_hbm.at[pl.ds(wid * _ROWS_PER_W, _ROWS_PER_W)])

    return gather_kernel(table, head_idx, tail_idx)


def _predict_tc(rows, W_fc, b_fc2d, W_pred, b_pred2d, B, P):
    n_pairs = rows.shape[0] // 2
    d = W_fc.shape[1]
    out_num = b_pred2d.shape[1]

    def body(rows_ref, wfc_ref, bfc_ref, wp_ref, bp_ref, out_ref):
        g = jnp.dot(rows_ref[...], wfc_ref[...],
                    preferred_element_type=jnp.float32)
        g = jnp.maximum(g + bfc_ref[...], 0.0)
        wp = wp_ref[...]
        res = (
            jnp.dot(g[:n_pairs], wp[:d], preferred_element_type=jnp.float32)
            + jnp.dot(g[n_pairs:], wp[d:], preferred_element_type=jnp.float32)
            + bp_ref[...]
        )
        out_ref[...] = res.reshape(B, P, out_num)

    return pl.pallas_call(
        body,
        out_shape=jax.ShapeDtypeStruct((B, P, out_num), jnp.float32),
    )(rows, W_fc, b_fc2d, W_pred, b_pred2d)


def kernel(node_features, edge_index, edge_features, head_ent_nodes,
           tail_ent_nodes, W_fc, b_fc, W_pred, b_pred):
    del edge_index, edge_features
    B, P = head_ent_nodes.shape
    out_num = b_pred.shape[0]
    node_dim = W_fc.shape[1]

    rows = _gather_rows_sc(node_features, head_ent_nodes, tail_ent_nodes)
    return _predict_tc(rows, W_fc, b_fc.reshape(1, node_dim),
                       W_pred, b_pred.reshape(1, out_num), B, P)

# --- scband reference (transcript-rebuilt; emitter-appended) ---
"""Pipeline reference for scband-debug-model-3487513444611 (READ-ONLY COPY).

The authoritative reference and input builder live on the scoring server;
editing this copy changes nothing except your own understanding.
"""

import jax, jax.numpy as jnp
import numpy as np

N_NODES = 10000
N_EDGES = 320000
NODE_IN_DIM = 128
NODE_DIM = 128
EDGE_IN_DIM = 16
OUTPUT_NUM = 97
B = 32
P = 100


def setup_inputs(seed: int = 0) -> dict:
    key = jax.random.key(seed)
    ks = jax.random.split(key, 10)
    node_features = jax.random.normal(ks[0], (N_NODES, NODE_IN_DIM), dtype=jnp.float32)
    edge_index = jax.random.randint(ks[1], (2, N_EDGES), 0, N_NODES, dtype=jnp.int64 if jax.config.jax_enable_x64 else jnp.int32).astype(jnp.int32)
    edge_features = jax.random.normal(ks[2], (N_EDGES, EDGE_IN_DIM), dtype=jnp.float32)
    head_ent_nodes = jax.random.randint(ks[3], (B, P), 0, N_NODES).astype(jnp.int32)
    tail_ent_nodes = jax.random.randint(ks[4], (B, P), 0, N_NODES).astype(jnp.int32)
    # learned parameters (xavier-ish init)
    W_fc = jax.random.normal(ks[5], (NODE_IN_DIM, NODE_DIM), dtype=jnp.float32) * (1.0 / np.sqrt(NODE_IN_DIM))
    b_fc = jax.random.normal(ks[6], (NODE_DIM,), dtype=jnp.float32) * 0.01
    W_pred = jax.random.normal(ks[7], (2 * NODE_DIM, OUTPUT_NUM), dtype=jnp.float32) * (1.0 / np.sqrt(2 * NODE_DIM))
    b_pred = jax.random.normal(ks[8], (OUTPUT_NUM,), dtype=jnp.float32) * 0.01
    return {
        "node_features": node_features,
        "edge_index": edge_index,
        "edge_features": edge_features,
        "head_ent_nodes": head_ent_nodes,
        "tail_ent_nodes": tail_ent_nodes,
        "W_fc": W_fc,
        "b_fc": b_fc,
        "W_pred": W_pred,
        "b_pred": b_pred,
    }


def reference(node_features, edge_index, edge_features, head_ent_nodes, tail_ent_nodes, W_fc, b_fc, W_pred, b_pred):
    # debugGNN: node_fc = Linear + ReLU
    h = jax.nn.relu(node_features @ W_fc + b_fc)
    # DGL update_all with message = edges.dst['h'], reduce = mean over mailbox.
    # Each edge sends the *destination* node's own h to the destination mailbox;
    # destinations with in-degree > 0 get mean(h_dst copies) = h_dst; nodes with
    # in-degree 0 keep their existing h. Implement faithfully via segment sums.
    dst = edge_index[1]
    msgs = jnp.take(h, dst, axis=0)  # gather per-edge messages
    agg = jax.ops.segment_sum(msgs, dst, num_segments=N_NODES)
    cnt = jax.ops.segment_sum(jnp.ones((N_EDGES,), dtype=jnp.float32), dst, num_segments=N_NODES)
    denom = jnp.maximum(cnt, 1.0)[:, None]
    node_h = jnp.where(cnt[:, None] > 0, agg / denom, h)
    # gather head/tail entity node representations: [B, P, node_dim]
    head_ent_h = jnp.take(node_h, head_ent_nodes, axis=0)
    tail_ent_h = jnp.take(node_h, tail_ent_nodes, axis=0)
    cat = jnp.concatenate([head_ent_h, tail_ent_h], axis=2)
    out = cat @ W_pred + b_pred  # [B, P, OUTPUT_NUM]
    return out

if __name__ == "__main__":
    import jax
    _d = setup_inputs()
    print(jax.jit(kernel)(*tuple(_d.values())))

</pallas_src>

<mosaic_0001>
#map = affine_map<(d0, d1) -> (0, 0)>
module attributes {stable_mosaic.version = 14 : i64} {
  func.func @gather_kernel(%arg0: i32, %arg1: i32, %arg2: memref<10000x128xf32, #tpu.memory_space<hbm>>, %arg3: memref<32x100xi32, #tpu.memory_space<hbm>>, %arg4: memref<32x100xi32, #tpu.memory_space<hbm>>, %arg5: memref<6400x128xf32, #tpu.memory_space<hbm>>, %arg6: memref<2x100xi32, #tpu.memory_space<vmem>>, %arg7: memref<200x128xf32, #tpu.memory_space<vmem>>, %arg8: memref<!tpu.dma_semaphore, #tpu.memory_space<semaphore_mem>>) attributes {dimension_semantics = [#tpu.dimension_semantics<core_parallel>, #tpu.dimension_semantics<subcore_parallel>], iteration_bounds = array<i64: 2, 16>, scalar_prefetch = 0 : i64, scratch_operands = 3 : i64, tpu.core_type = #tpu.core_type<sc_vector_subcore>, window_params = [{transform_indices = #map}, {transform_indices = #map}, {transform_indices = #map}, {transform_indices = #map}]} {
    %mul3A = arith.constant 2 : i32
    %mul3A_0 = arith.muli %arg1, %mul3A : i32
    %add3A = arith.addi %mul3A_0, %arg0 : i32
    %lt3A = arith.constant 16 : i32
    %lt3A_1 = arith.cmpi slt, %add3A, %lt3A : i32
    %convert_element_type3A = arith.extui %lt3A_1 : i1 to i32
    %cond3A = arith.constant 0 : i32
    %cond3A_2 = arith.cmpi ne, %convert_element_type3A, %cond3A : i32
    scf.if %cond3A_2 {
      %mul3A_47 = arith.constant 2 : i32
      %mul3A_48 = arith.muli %mul3A_47, %add3A : i32
      "tpu.region"() ({
        %run_scoped3A = tpu.sem_alloc : memref<!tpu.dma_semaphore, #tpu.memory_space<semaphore_mem>>
        %dma_start3A_49 = arith.constant 0 : i32
        %dma_start3A_50 = tpu.memref_slice %arg3[%mul3A_48, %dma_start3A_49] : memref<32x100xi32, #tpu.memory_space<hbm>> -> memref<2x100xi32, #tpu.memory_space<hbm>>
        %dma_start3A_51 = arith.constant 0 : i32
        %dma_start3A_52 = tpu.memref_slice %arg3[%mul3A_48, %dma_start3A_51] : memref<32x100xi32, #tpu.memory_space<hbm>> -> memref<2x100xi32, #tpu.memory_space<hbm>>
        tpu.enqueue_dma source(%dma_start3A_52 : memref<2x100xi32, #tpu.memory_space<hbm>>) target(%arg6 : memref<2x100xi32, #tpu.memory_space<vmem>>) target_semaphore(%run_scoped3A : memref<!tpu.dma_semaphore, #tpu.memory_space<semaphore_mem>>)
        %dma_wait3A_53 = arith.constant 0 : i32
        %dma_wait3A_54 = tpu.memref_slice %arg3[%mul3A_48, %dma_wait3A_53] : memref<32x100xi32, #tpu.memory_space<hbm>> -> memref<2x100xi32, #tpu.memory_space<hbm>>
        %dma_wait3A_55 = arith.constant 0 : i32
        %dma_wait3A_56 = tpu.memref_slice %arg3[%mul3A_48, %dma_wait3A_55] : memref<32x100xi32, #tpu.memory_space<hbm>> -> memref<2x100xi32, #tpu.memory_space<hbm>>
        tpu.wait_dma2 semaphore(%run_scoped3A : memref<!tpu.dma_semaphore, #tpu.memory_space<semaphore_mem>>) src(%dma_wait3A_56 : memref<2x100xi32, #tpu.memory_space<hbm>>) dst(%arg6 : memref<2x100xi32, #tpu.memory_space<vmem>>)
        tpu.yield
      }) : () -> ()
    } else {
    }
    %ge3A = arith.constant 16 : i32
    %ge3A_3 = arith.cmpi sge, %add3A, %ge3A : i32
    %convert_element_type3A_4 = arith.extui %ge3A_3 : i1 to i32
    %cond3A_5 = arith.constant 0 : i32
    %cond3A_6 = arith.cmpi ne, %convert_element_type3A_4, %cond3A_5 : i32
    scf.if %cond3A_6 {
      %sub3A = arith.constant 16 : i32
      %sub3A_47 = arith.subi %add3A, %sub3A : i32
      %mul3A_48 = arith.constant 2 : i32
      %mul3A_49 = arith.muli %mul3A_48, %sub3A_47 : i32
      "tpu.region"() ({
        %run_scoped3A = tpu.sem_alloc : memref<!tpu.dma_semaphore, #tpu.memory_space<semaphore_mem>>
        %dma_start3A_50 = arith.constant 0 : i32
        %dma_start3A_51 = tpu.memref_slice %arg4[%mul3A_49, %dma_start3A_50] : memref<32x100xi32, #tpu.memory_space<hbm>> -> memref<2x100xi32, #tpu.memory_space<hbm>>
        %dma_start3A_52 = arith.constant 0 : i32
        %dma_start3A_53 = tpu.memref_slice %arg4[%mul3A_49, %dma_start3A_52] : memref<32x100xi32, #tpu.memory_space<hbm>> -> memref<2x100xi32, #tpu.memory_space<hbm>>
        tpu.enqueue_dma source(%dma_start3A_53 : memref<2x100xi32, #tpu.memory_space<hbm>>) target(%arg6 : memref<2x100xi32, #tpu.memory_space<vmem>>) target_semaphore(%run_scoped3A : memref<!tpu.dma_semaphore, #tpu.memory_space<semaphore_mem>>)
        %dma_wait3A_54 = arith.constant 0 : i32
        %dma_wait3A_55 = tpu.memref_slice %arg4[%mul3A_49, %dma_wait3A_54] : memref<32x100xi32, #tpu.memory_space<hbm>> -> memref<2x100xi32, #tpu.memory_space<hbm>>
        %dma_wait3A_56 = arith.constant 0 : i32
        %dma_wait3A_57 = tpu.memref_slice %arg4[%mul3A_49, %dma_wait3A_56] : memref<32x100xi32, #tpu.memory_space<hbm>> -> memref<2x100xi32, #tpu.memory_space<hbm>>
        tpu.wait_dma2 semaphore(%run_scoped3A : memref<!tpu.dma_semaphore, #tpu.memory_space<semaphore_mem>>) src(%dma_wait3A_57 : memref<2x100xi32, #tpu.memory_space<hbm>>) dst(%arg6 : memref<2x100xi32, #tpu.memory_space<vmem>>)
        tpu.yield
      }) : () -> ()
    } else {
    }
    %dma_start3A = arith.constant 0 : i32
    %dma_start3A_7 = arith.constant 0 : i32
    %dma_start3A_8 = arith.constant 0 : i32
    %dma_start3A_9 = tpu.memref_slice %arg7[%dma_start3A_7, %dma_start3A_8] : memref<200x128xf32, #tpu.memory_space<vmem>> -> memref<100x128xf32, #tpu.memory_space<vmem>>
    %dma_start3A_10 = arith.constant 0 : i32
    %dma_start3A_11 = tpu.memref_slice %arg6[%dma_start3A, %dma_start3A_10] : memref<2x100xi32, #tpu.memory_space<vmem>> -> memref<1x100xi32, #tpu.memory_space<vmem>>
    %dma_start3A_12 = tpu.memref_squeeze %dma_start3A_11 : memref<1x100xi32, #tpu.memory_space<vmem>> -> memref<100xi32, #tpu.memory_space<vmem>>
    %dma_start3A_13 = arith.constant 0 : i32
    %dma_start3A_14 = arith.constant 0 : i32
    %dma_start3A_15 = tpu.memref_slice %arg2[%dma_start3A_13, %dma_start3A_14] : memref<10000x128xf32, #tpu.memory_space<hbm>> -> memref<10000x128xf32, #tpu.memory_space<hbm>>
    tpu.enqueue_indirect_dma source(%dma_start3A_15 : memref<10000x128xf32, #tpu.memory_space<hbm>>) target(%dma_start3A_9 : memref<100x128xf32, #tpu.memory_space<vmem>>) offsets(%dma_start3A_12 : memref<100xi32, #tpu.memory_space<vmem>>) semaphore(%arg8 : memref<!tpu.dma_semaphore, #tpu.memory_space<semaphore_mem>>)
    %dma_start3A_16 = arith.constant 1 : i32
    %dma_start3A_17 = arith.constant 100 : i32
    %dma_start3A_18 = arith.constant 0 : i32
    %dma_start3A_19 = tpu.memref_slice %arg7[%dma_start3A_17, %dma_start3A_18] : memref<200x128xf32, #tpu.memory_space<vmem>> -> memref<100x128xf32, #tpu.memory_space<vmem>>
    %dma_start3A_20 = arith.constant 0 : i32
    %dma_start3A_21 = tpu.memref_slice %arg6[%dma_start3A_16, %dma_start3A_20] : memref<2x100xi32, #tpu.memory_space<vmem>> -> memref<1x100xi32, #tpu.memory_space<vmem>>
    %dma_start3A_22 = tpu.memref_squeeze %dma_start3A_21 : memref<1x100xi32, #tpu.memory_space<vmem>> -> memref<100xi32, #tpu.memory_space<vmem>>
    %dma_start3A_23 = arith.constant 0 : i32
    %dma_start3A_24 = arith.constant 0 : i32
    %dma_start3A_25 = tpu.memref_slice %arg2[%dma_start3A_23, %dma_start3A_24] : memref<10000x128xf32, #tpu.memory_space<hbm>> -> memref<10000x128xf32, #tpu.memory_space<hbm>>
    tpu.enqueue_indirect_dma source(%dma_start3A_25 : memref<10000x128xf32, #tpu.memory_space<hbm>>) target(%dma_start3A_19 : memref<100x128xf32, #tpu.memory_space<vmem>>) offsets(%dma_start3A_22 : memref<100xi32, #tpu.memory_space<vmem>>) semaphore(%arg8 : memref<!tpu.dma_semaphore, #tpu.memory_space<semaphore_mem>>)
    %dma_wait3A = arith.constant 0 : i32
    %dma_wait3A_26 = arith.constant 0 : i32
    %dma_wait3A_27 = arith.constant 0 : i32
    %dma_wait3A_28 = tpu.memref_slice %arg7[%dma_wait3A_26, %dma_wait3A_27] : memref<200x128xf32, #tpu.memory_space<vmem>> -> memref<100x128xf32, #tpu.memory_space<vmem>>
    %dma_wait3A_29 = arith.constant 0 : i32
    %dma_wait3A_30 = tpu.memref_slice %arg6[%dma_wait3A, %dma_wait3A_29] : memref<2x100xi32, #tpu.memory_space<vmem>> -> memref<1x100xi32, #tpu.memory_space<vmem>>
    %dma_wait3A_31 = tpu.memref_squeeze %dma_wait3A_30 : memref<1x100xi32, #tpu.memory_space<vmem>> -> memref<100xi32, #tpu.memory_space<vmem>>
    %dma_wait3A_32 = arith.constant 0 : i32
    %dma_wait3A_33 = arith.constant 0 : i32
    %dma_wait3A_34 = tpu.memref_slice %arg2[%dma_wait3A_32, %dma_wait3A_33] : memref<10000x128xf32, #tpu.memory_space<hbm>> -> memref<10000x128xf32, #tpu.memory_space<hbm>>
    tpu.wait_indirect_dma semaphore(%arg8 : memref<!tpu.dma_semaphore, #tpu.memory_space<semaphore_mem>>) src(%dma_wait3A_34 : memref<10000x128xf32, #tpu.memory_space<hbm>>) dst(%dma_wait3A_28 : memref<100x128xf32, #tpu.memory_space<vmem>>)
    %dma_wait3A_35 = arith.constant 1 : i32
    %dma_wait3A_36 = arith.constant 100 : i32
    %dma_wait3A_37 = arith.constant 0 : i32
    %dma_wait3A_38 = tpu.memref_slice %arg7[%dma_wait3A_36, %dma_wait3A_37] : memref<200x128xf32, #tpu.memory_space<vmem>> -> memref<100x128xf32, #tpu.memory_space<vmem>>
    %dma_wait3A_39 = arith.constant 0 : i32
    %dma_wait3A_40 = tpu.memref_slice %arg6[%dma_wait3A_35, %dma_wait3A_39] : memref<2x100xi32, #tpu.memory_space<vmem>> -> memref<1x100xi32, #tpu.memory_space<vmem>>
    %dma_wait3A_41 = tpu.memref_squeeze %dma_wait3A_40 : memref<1x100xi32, #tpu.memory_space<vmem>> -> memref<100xi32, #tpu.memory_space<vmem>>
    %dma_wait3A_42 = arith.constant 0 : i32
    %dma_wait3A_43 = arith.constant 0 : i32
    %dma_wait3A_44 = tpu.memref_slice %arg2[%dma_wait3A_42, %dma_wait3A_43] : memref<10000x128xf32, #tpu.memory_space<hbm>> -> memref<10000x128xf32, #tpu.memory_space<hbm>>
    tpu.wait_indirect_dma semaphore(%arg8 : memref<!tpu.dma_semaphore, #tpu.memory_space<semaphore_mem>>) src(%dma_wait3A_44 : memref<10000x128xf32, #tpu.memory_space<hbm>>) dst(%dma_wait3A_38 : memref<100x128xf32, #tpu.memory_space<vmem>>)
    %mul3A_45 = arith.constant 200 : i32
    %mul3A_46 = arith.muli %add3A, %mul3A_45 : i32
    "tpu.region"() ({
      %run_scoped3A = tpu.sem_alloc : memref<!tpu.dma_semaphore, #tpu.memory_space<semaphore_mem>>
      %dma_start3A_47 = arith.constant 0 : i32
      %dma_start3A_48 = tpu.memref_slice %arg5[%mul3A_46, %dma_start3A_47] : memref<6400x128xf32, #tpu.memory_space<hbm>> -> memref<200x128xf32, #tpu.memory_space<hbm>>
      %dma_start3A_49 = arith.constant 0 : i32
      %dma_start3A_50 = tpu.memref_slice %arg5[%mul3A_46, %dma_start3A_49] : memref<6400x128xf32, #tpu.memory_space<hbm>> -> memref<200x128xf32, #tpu.memory_space<hbm>>
      tpu.enqueue_dma source(%arg7 : memref<200x128xf32, #tpu.memory_space<vmem>>) target(%dma_start3A_50 : memref<200x128xf32, #tpu.memory_space<hbm>>) target_semaphore(%run_scoped3A : memref<!tpu.dma_semaphore, #tpu.memory_space<semaphore_mem>>)
      %dma_wait3A_51 = arith.constant 0 : i32
      %dma_wait3A_52 = tpu.memref_slice %arg5[%mul3A_46, %dma_wait3A_51] : memref<6400x128xf32, #tpu.memory_space<hbm>> -> memref<200x128xf32, #tpu.memory_space<hbm>>
      %dma_wait3A_53 = arith.constant 0 : i32
      %dma_wait3A_54 = tpu.memref_slice %arg5[%mul3A_46, %dma_wait3A_53] : memref<6400x128xf32, #tpu.memory_space<hbm>> -> memref<200x128xf32, #tpu.memory_space<hbm>>
      tpu.wait_dma2 semaphore(%run_scoped3A : memref<!tpu.dma_semaphore, #tpu.memory_space<semaphore_mem>>) src(%arg7 : memref<200x128xf32, #tpu.memory_space<vmem>>) dst(%dma_wait3A_54 : memref<200x128xf32, #tpu.memory_space<hbm>>)
      tpu.yield
    }) : () -> ()
    return
  }
}

module attributes {stable_mosaic.version = 14 : i64} {
  func.func @body(%arg0: memref<6400x128xf32, #tpu.memory_space<vmem>>, %arg1: memref<128x128xf32, #tpu.memory_space<vmem>>, %arg2: memref<1x128xf32, #tpu.memory_space<vmem>>, %arg3: memref<256x97xf32, #tpu.memory_space<vmem>>, %arg4: memref<1x97xf32, #tpu.memory_space<vmem>>, %arg5: memref<32x100x97xf32, #tpu.memory_space<vmem>>) attributes {dimension_semantics = [], scalar_prefetch = 0 : i64, scratch_operands = 0 : i64, tpu.core_type = #tpu.core_type<tc>} {
    %get3A = arith.constant 0 : index
    %get3A_0 = arith.constant 0 : index
    %get3A_1 = vector.load %arg0[%get3A, %get3A_0] : memref<6400x128xf32, #tpu.memory_space<vmem>>, vector<6400x128xf32>
    %get3A_2 = arith.constant 0 : index
    %get3A_3 = arith.constant 0 : index
    %get3A_4 = vector.load %arg1[%get3A_2, %get3A_3] : memref<128x128xf32, #tpu.memory_space<vmem>>, vector<128x128xf32>
    %dot_general3A = arith.constant dense<0.000000e+00> : vector<6400x128xf32>
    %dot_general3A_5 = tpu.matmul %get3A_1, %get3A_4, %dot_general3A {dimension_numbers = #tpu.dot_dimension_numbers<[1], [0], [0], [1], [0, 0, 1, 1], [], []>, transpose_lhs_hint = false} : vector<6400x128xf32>, vector<128x128xf32>, vector<6400x128xf32> -> vector<6400x128xf32>
    %get3A_6 = arith.constant 0 : index
    %get3A_7 = arith.constant 0 : index
    %get3A_8 = vector.load %arg2[%get3A_6, %get3A_7] : memref<1x128xf32, #tpu.memory_space<vmem>>, vector<1x128xf32>
    %add3A = vector.broadcast %get3A_8 : vector<1x128xf32> to vector<6400x128xf32>
    %add3A_9 = arith.addf %dot_general3A_5, %add3A : vector<6400x128xf32>
    %max3A = arith.constant 0.000000e+00 : f32
    %max3A_10 = vector.broadcast %max3A : f32 to vector<6400x128xf32>
    %max3A_11 = arith.maximumf %add3A_9, %max3A_10 : vector<6400x128xf32>
    %get3A_12 = arith.constant 0 : index
    %get3A_13 = arith.constant 0 : index
    %get3A_14 = vector.load %arg3[%get3A_12, %get3A_13] : memref<256x97xf32, #tpu.memory_space<vmem>>, vector<256x97xf32>
    %slice3A = vector.extract_strided_slice %max3A_11 {offsets = [0, 0], sizes = [3200, 128], strides = [1, 1]} : vector<6400x128xf32> to vector<3200x128xf32>
    %slice3A_15 = vector.extract_strided_slice %get3A_14 {offsets = [0, 0], sizes = [128, 97], strides = [1, 1]} : vector<256x97xf32> to vector<128x97xf32>
    %dot_general3A_16 = arith.constant dense<0.000000e+00> : vector<3200x97xf32>
    %dot_general3A_17 = tpu.matmul %slice3A, %slice3A_15, %dot_general3A_16 {dimension_numbers = #tpu.dot_dimension_numbers<[1], [0], [0], [1], [0, 0, 1, 1], [], []>, transpose_lhs_hint = false} : vector<3200x128xf32>, vector<128x97xf32>, vector<3200x97xf32> -> vector<3200x97xf32>
    %slice3A_18 = vector.extract_strided_slice %max3A_11 {offsets = [3200, 0], sizes = [3200, 128], strides = [1, 1]} : vector<6400x128xf32> to vector<3200x128xf32>
    %slice3A_19 = vector.extract_strided_slice %get3A_14 {offsets = [128, 0], sizes = [128, 97], strides = [1, 1]} : vector<256x97xf32> to vector<128x97xf32>
    %dot_general3A_20 = arith.constant dense<0.000000e+00> : vector<3200x97xf32>
    %dot_general3A_21 = tpu.matmul %slice3A_18, %slice3A_19, %dot_general3A_20 {dimension_numbers = #tpu.dot_dimension_numbers<[1], [0], [0], [1], [0, 0, 1, 1], [], []>, transpose_lhs_hint = false} : vector<3200x128xf32>, vector<128x97xf32>, vector<3200x97xf32> -> vector<3200x97xf32>
    %add3A_22 = arith.addf %dot_general3A_17, %dot_general3A_21 : vector<3200x97xf32>
    %get3A_23 = arith.constant 0 : index
    %get3A_24 = arith.constant 0 : index
    %get3A_25 = vector.load %arg4[%get3A_23, %get3A_24] : memref<1x97xf32, #tpu.memory_space<vmem>>, vector<1x97xf32>
    %add3A_26 = vector.broadcast %get3A_25 : vector<1x97xf32> to vector<3200x97xf32>
    %add3A_27 = arith.addf %add3A_22, %add3A_26 : vector<3200x97xf32>
    %reshape3A = vector.shape_cast %add3A_27 : vector<3200x97xf32> to vector<32x100x97xf32>
    %swap3A = arith.constant 0 : index
    %swap3A_28 = arith.constant 0 : index
    %swap3A_29 = arith.constant 0 : index
    %swap3A_30 = vector.load %arg5[%swap3A, %swap3A_28, %swap3A_29] : memref<32x100x97xf32, #tpu.memory_space<vmem>>, vector<32x100x97xf32>
    tpu.vector_store %arg5[%swap3A, %swap3A_28, %swap3A_29], %reshape3A {strides = array<i32>} : memref<32x100x97xf32, #tpu.memory_space<vmem>>, vector<32x100x97xf32>,
    return
  }
}

</mosaic_0001>

<sc_bundles>
// kernel: kernel.4.cloned.1.call-start
scs
__scs_entry_jumppad:
0x0: {  	(pc) =	sbr.rel $0x88, $3  }
0x1: {  	(tag) =	ssettag $0x0;
	lr =	simm.s32 $0x1  }
0x2: {  	[smem:$0x3F9A] =	sst lr;
	_ =	strace $0xD0000000  }
0x3: {  	_ = 	snop  }
0x4: {  	_ = 	snop  }
0x5: {  	_ = 	snop  }
0x6: {  	_ = 	snop  }
0x7: {  	_ = 	snop  }
__scs_overlays_trampoline_lowered:
0x8: {  	[smem:$0x3FA9] =	sst s0  }
0x9: {  	[smem:$0x3FAA] =	sst s1  }
0xa: {  	[smem:$0x3FAB] =	sst s2  }
0xb: {  	[smem:$0x3FAC] =	sst s3  }
0xc: {  	[smem:$0x3FAD] =	sst s4  }
0xd: {  	[smem:$0x3FAE] =	sst s5  }
0xe: {  	[smem:$0x3FAF] =	sst s6  }
0xf: {  	[smem:$0x3FB0] =	sst s7  }
0x10: {  	[smem:$0x3FB1] =	sst s8  }
0x11: {  	[smem:$0x3FB2] =	sst s9;
	s0 =	simm.s32 @!p0 $0x0  }
0x12: {  	s1 =	sld [smem:$0x3F98];
	s0 =	simm.s32 @p0 $0x1  }
0x13: {  	[smem:$0x3FB3] =	sst s0;
	s0 =	simm.s32 @!p1 $0x0  }
0x14: {  	s2 =	sld [smem:$0x3F97];
	s0 =	simm.s32 @p1 $0x1  }
0x15: {  	[smem:$0x3FB4] =	sst s0;
	s0 =	simm.s32 @!p2 $0x0  }
0x16: {  	s3 =	sld [smem:$0x3FDB];
	s0 =	simm.s32 @p2 $0x1  }
0x17: {  	s4 =	simm.s32 $0x1BF5;
	[smem:$0x3FB6] =	sst s0  }
0x18: {  	s0 =	sld [smem:$0x3F99];
	_ =	swait.ge [sflag:s4], $0x0  }
0x19: {  	s7 =	sld [smem:$0x3F9A]  }
0x1a: {  	s8 =	sadd.s32 $0xFFFFE003, lr  }
0x1b: {  	s9 =	sadd.s32 $0xFFFFFEF7, lr;
	s5 =	simm.s32 $0xFFFFFFFF;
	p2 =	slt.u32 s8, $0xFFFFF086  }
0x1c: {  	p1 =	slt.u32 s9, $0xF7A;
	s5 =	simm.s32 @!p2 $0x0  }
0x1d: {  	s5 =	simm.s32 @p1 $0x1;
	p0 =	seq.s32 s7, s2  }
0x1e: {  	s7 =	smul.u32 @!p0 $0xF7A, s2;
	p2 =	seq.s32 @!p0 s5, $0x0  }
0x1f: {  	s9 =	smul.u32 $0xF7A, s1;
	s8 =	simm.s32 @!p0 $0x1BF5;
	p2 =	por !p2, p0  }
0x20: {  	[sflag:s8] =	ssyncset.s32 @!p0 $0xFFFFF086;
	s6 =	sadd.s32 @!p0 s3, s7;
	s7 =	simm.s32 @!p0 $0x108  }
0x21: {  	s3 =	sadd.s32 s3, s9;
	s6 =	sadd.s32 @!p0 $0x88, s6;
	s7 =	simm.s32 @p2 $0x1082  }
0x22: {  	[simem:s7], [sflag:s8] =	dma.local @!p0 [hbm:s6], $0xF7A  }
0x23: {  	s9 =	sor.u32 $0xD0000000, s2;
	s6 =	simm.s32 $0x108;
	_ =	swait.ge @!p0 [sflag:s8], $0x0  }
0x24: {  	s3 =	sadd.s32 $0x88, s3;
	s6 =	simm.s32 @!p1 $0x1082;
	[sflag:s4] =	ssyncset.s32 $0xFFFFF086  }
0x25: {  	[simem:s6], [sflag:s4] =	dma.local [hbm:s3], $0xF7A  }
0x26: {  	[smem:$0x3F9A] =	sst s1;
	(tag) =	ssettag s2;
	_ =	strace s9  }
0x27: {  	s1 =	sld [smem:$0x3FAA]  }
0x28: {  	s2 =	sld [smem:$0x3FAB]  }
0x29: {  	s4 =	sld [smem:$0x3FAD]  }
0x2a: {  	p0 =	seq.s32 s5, $0x0;
	s5 =	sld [smem:$0x3FAE]  }
0x2b: {  	s6 =	sld [smem:$0x3FAF]  }
0x2c: {  	s7 =	sld [smem:$0x3FB0]  }
0x2d: {  	s3 =	simm.s32 $0x108;
	s8 =	sld [smem:$0x3FB1]  }
0x2e: {  	s3 =	simm.s32 @!p0 $0x1082;
	s9 =	sld [smem:$0x3FB2]  }
0x2f: {  	lr =	sadd.s32 s0, s3;
	s0 =	sld [smem:$0x3FA9]  }
0x30: {  	s3 =	sld [smem:$0x3FAC]  }
0x31: {  	[smem:$0x3FB5] =	sst s10  }
0x32: {  	s10 =	sld [smem:$0x3FB3];
	_ =	sdelay $0x3  }
0x33: {  	p0 =	seq.s32 s10, $0x1;
	s10 =	sld [smem:$0x3FB5];
	_ =	sdelay $0x3  }
0x34: {  	[smem:$0x3FB5] =	sst s10  }
0x35: {  	s10 =	sld [smem:$0x3FB4];
	_ =	sdelay $0x3  }
0x36: {  	p1 =	seq.s32 s10, $0x1;
	s10 =	sld [smem:$0x3FB5];
	_ =	sdelay $0x3  }
0x37: {  	[smem:$0x3FB5] =	sst s10  }
0x38: {  	s10 =	sld [smem:$0x3FB6]  }
0x39: {  	_ = 	snop;
	(pc) =	sbr.ind lr, $3  }
0x3a: {  	_ = 	snop  }
0x3b: {  	_ = 	snop  }
0x3c: {  	p2 =	seq.s32 s10, $0x1;
	s10 =	sld [smem:$0x3FB5]  }
0x3d: {  	_ =	shalt  }
0x3e: {  	_ =	shalt  }
0x3f: {  	_ =	shalt  }
0x40: {  	_ =	shalt  }
0x41: {  	_ =	shalt  }
0x42: {  	_ =	shalt  }
0x43: {  	_ =	shalt  }
0x44: {  	_ =	shalt  }
0x45: {  	_ =	shalt  }
0x46: {  	_ =	shalt  }
0x47: {  	_ =	shalt  }
0x48: {  	_ =	shalt  }
0x49: {  	_ =	shalt  }
0x4a: {  	_ =	shalt  }
0x4b: {  	_ =	shalt  }
0x4c: {  	_ =	shalt  }
0x4d: {  	_ =	shalt  }
0x4e: {  	_ =	shalt  }
0x4f: {  	_ =	shalt  }
0x50: {  	_ =	shalt  }
0x51: {  	_ =	shalt  }
0x52: {  	_ =	shalt  }
0x53: {  	_ =	shalt  }
0x54: {  	_ =	shalt  }
0x55: {  	_ =	shalt  }
0x56: {  	_ =	shalt  }
0x57: {  	_ =	shalt  }
0x58: {  	_ =	shalt  }
0x59: {  	_ =	shalt  }
0x5a: {  	_ =	shalt  }
0x5b: {  	_ =	shalt  }
0x5c: {  	_ =	shalt  }
0x5d: {  	_ =	shalt  }
0x5e: {  	_ =	shalt  }
0x5f: {  	_ =	shalt  }
0x60: {  	_ =	shalt  }
0x61: {  	_ =	shalt  }
0x62: {  	_ =	shalt  }
0x63: {  	_ =	shalt  }
0x64: {  	_ =	shalt  }
0x65: {  	_ =	shalt  }
0x66: {  	_ =	shalt  }
0x67: {  	_ =	shalt  }
0x68: {  	_ =	shalt  }
0x69: {  	_ =	shalt  }
0x6a: {  	_ =	shalt  }
0x6b: {  	_ =	shalt  }
0x6c: {  	_ =	shalt  }
0x6d: {  	_ =	shalt  }
0x6e: {  	_ =	shalt  }
0x6f: {  	_ =	shalt  }
0x70: {  	_ =	shalt  }
0x71: {  	_ =	shalt  }
0x72: {  	_ =	shalt  }
0x73: {  	_ =	shalt  }
0x74: {  	_ =	shalt  }
0x75: {  	_ =	shalt  }
0x76: {  	_ =	shalt  }
0x77: {  	_ =	shalt  }
0x78: {  	_ =	shalt  }
0x79: {  	_ =	shalt  }
0x7a: {  	_ =	shalt  }
0x7b: {  	_ =	shalt  }
0x7c: {  	_ =	shalt  }
0x7d: {  	_ =	shalt  }
0x7e: {  	_ =	shalt  }
0x7f: {  	_ =	shalt  }
0x80: {  	_ =	shalt  }
0x81: {  	_ =	shalt  }
0x82: {  	_ =	shalt  }
0x83: {  	_ =	shalt  }
0x84: {  	_ =	shalt  }
0x85: {  	_ =	shalt  }
0x86: {  	_ =	shalt  }
0x87: {  	_ =	shalt  }
.Lfunc_end0:
.L_simem_size_0:
called_computation_lowered:
.L_overlay_start_0:
0x88: {  	s2 =	sld [smem:$0x3FD9]  }
0x89: {  	s3 =	sld [smem:$0x3FFE];
	_ =	sdelay $0x1  }
0x8a: {  	s1 =	srdreg.scid  }
0x8b: {  	s0 =	sand.u32 $0x1, s1  }
0x8c: {  	s17 =	sshll.u32 s0, $0xA;
	s2 =	sadd.s32 s3, s2  }
0x8d: {  	s2 =	sadd.s32 s2, s17  }
0x8e: {  	[smem:$0x3FC1] =	sst s2  }
0x8f: {  	_ = 	snop  }
0x90: {  	s2 =	sld [smem:$0x3FC9]  }
0x91: {  	s18 =	sld [smem:$0x3FC8]  }
0x92: {  	s4 =	sld [smem:$0x3FC7];
	(tm) =	ssettm $0x1  }
0x93: {  	s5 =	sld [smem:$0x3FFB];
	_ =	sdelay $0x3  }
0x94: {  	_ =	strace s5  }
0x95: {  	s5 =	sld [smem:$0x3FFC];
	_ =	sdelay $0x3  }
0x96: {  	_ =	strace s5  }
0x97: {  	s5 =	sld [smem:$0x3FFD];
	_ =	sdelay $0x3  }
0x98: {  	_ =	strace s5  }
0x99: {  	_ =	strace $0x8FFFFFFF  }
0x9a: {  	s19 =	sld [smem:$0x3FDB];
	_ =	sdelay $0x1  }
0x9b: {  	s6 =	simm.s32 $_scs_section_size  }
0x9c: {  	s7 =	simm.s32 $_size__tile_overlayer_lowered;
	s8 =	simm.s32 $_tile_overlayer_lowered  }
0x9d: {  	s22 =	simm.s32 $0x1BFF;
	s21 =	sshll.u32 s8, $0x1;
	s5 =	sadd.s32 s6, s19  }
0x9e: {  	s9 =	simm.s32 $0x0;
	s20 =	sshll.u32 s7, $0x1;
	s7 =	sadd.s32 s21, s5  }
0x9f: {  	[timem:s9], [sflag:s22] =	dma.local [hbm:s7], s20  }
0xa0: {  	_ =	swait.ge [sflag:s22], s20  }
0xa1: {  	s6 =	ssub.s32 $0x0, s20;
	[sflag:s22] =	ssyncset.done $0x0  }
0xa2: {  	[sflag:s22] =	ssyncadd.s32 s6;
	_ =	sdelay $0x1  }
0xa3: {  	s23 =	simm.s32 $0x1B8B  }
0xa4: {  	_ =	swait.ge [sflag:s23], $0x1  }
0xa5: {  	[sflag:s23] =	ssyncset.done $0x0  }
0xa6: {  	s25 =	simm.s32 $0x1B8E;
	s24 =	sld [smem:$0x3FFE];
	[sflag:s23] =	ssyncadd.s32 $0xFFFFFFFF  }
0xa7: {  	s26 =	simm.s32 $execute0_lowered;
	[smem:$0x3FD2] =	sst s25  }
0xa8: {  	s7 =	sshll.u32 s26, $0x1;
	_ =	strace $0x80000046;
	[dreg:$0x1] =	wrdreg $0xFFFFFFFF  }
0xa9: {  	s28 =	simm.s32 $_size_execute0_lowered;
	s5 =	sadd.s32 s5, s7;
	[dreg:$0x0] =	wrdreg $0x0  }
0xaa: {  	s7 =	sshll.u32 s28, $0x1;
	[dreg:$0x2] =	wrdreg s5  }
0xab: {  	[dreg:$0x3] =	wrdreg s7  }
0xac: {  	[dreg:$0x4] =	wrdreg $0xC0  }
0xad: {  	_ =	task [dreg:s9], $0x5FFFF  }
0xae: {  	[dreg:$0x1] =	wrdreg $0xFFFFFFFF  }
0xaf: {  	[dreg:$0x0] =	wrdreg $0x60  }
0xb0: {  	[dreg:$0x2] =	wrdreg s2  }
0xb1: {  	[dreg:$0x3] =	wrdreg s18  }
0xb2: {  	[dreg:$0x4] =	wrdreg s4  }
0xb3: {  	[dreg:$0x5] =	wrdreg s24  }
0xb4: {  	[dreg:$0x6] =	wrdreg $0x9  }
0xb5: {  	_ =	task.clear_ibuf [dreg:s9], $0x7FFFF;
	_ =	strace $0x90000046  }
0xb6: {  	s29 =	simm.s32 $0x9;
	_ =	strace $0x80000048  }
0xb7: {  	_ =	swait.ge [sflag:s29], $0x1  }
0xb8: {  	[sflag:s29] =	ssyncadd.s32 $0xFFFFFFFF  }
0xb9: {  	_ =	strace $0x90000048  }
0xba: {  	_ =	sfence  }
0xbb: {  	s30 =	sld [smem:$0x0];
	_ =	sdelay $0x2  }
0xbc: {  	s31 =	sshll.u32 s1, $0xD;
	s1 =	sshrl.u32 s1, $0x2  }
0xbd: {  	s3 =	sand.u32 $0x4000, s31;
	s1 =	sadd.s32 s1, s30  }
0xbe: {  	s0 =	sor.u32 s3, s0;
	s1 =	sshll.u32 s1, $0x11  }
0xbf: {  	s0 =	sor.u32 s1, s0  }
0xc0: {  	s0 =	sadd.s32 $0x8F2B, s0  }
0xc1: {  	[sflag:s0] =	ssyncadd.remote.s32 $0x1  }
0xc2: {  	_ =	sfence.sel $0xFFFF  }
0xc3: {  	[dreg:$0x0] =	wrdreg $0xFFFFFFFF;
	(pc) =	sbr.abs _section_cstart, $3  }
0xc4: {  	[dreg:$0x1] =	wrdreg $0xFFFFFFFF  }
0xc5: {  	_ =	task.clear_ibuf [dreg:s9], $0x2FFFF;
	_ =	strace $0x9FFFFFFF  }
0xc6: {  	(tm) =	ssettm $0x7FFFFFFF  }
0xc7: {  	_ =	shalt  }
tec
execute0_lowered:
.L_overlay_start_1:
0x0: {  	(tag) =	ssettag $0x1  }
0x1: {  	s1 =	rddreg [dreg:$0x0]  }
0x2: {  	s2 =	srdreg.scid;
	s0 =	stileid.u32  }
0x3: {  	s5 =	rddreg [dreg:$0x1];
	s11 =	sand.u32 $0x1, s2;
	s29 =	sshll.u32 s0, $0x1  }
0x4: {  	s4 =	rddreg [dreg:$0x2];
	s12 =	sor.u32 s11, s29  }
0x5: {  	s13 =	rddreg [dreg:$0x3];
	s6 =	sshll.u32 s12, $0x8  }
0x6: {  	s3 =	simm.s32 $0x0;
	s2 =	rddreg [dreg:$0x4];
	s6 =	sadd.s32 $0xFFFFF000, s6  }
0x7: {  	[smem:$0x7FF] =	sst s3;
	s7 =	sshll.u32 s12, $0x5;
	s6 =	sshrl.u32 s6, $0x3  }
0x8: {  	p0 =	slt.u32 s0, $0x8;
	s5 =	sadd.s32 s5, s7;
	s4 =	sadd.s32 s4, s6  }
0x9: {  	_ =	strace $0x80000047;
	s4 =	smov.u32 @p0 s5;
	s5 =	simm.s32 $0x2  }
0xa: {  	[tilespmem:s3], [sflag:$0x2] =	stream.linear.gather [hbm4b:s4+s3], $0x100, $0x38;
	[tilespmem:$0x6500] =	vst v63  }
0xb: {  	_ =	swait.ge [sflag:s5], $0x100  }
0xc: {  	s8 =	simm.s32 $0x80;
	[sflag:s5] =	ssyncset.done $0x0  }
0xd: {  	s7 =	simm.s32 $0x100;
	s6 =	simm.s32 $0x64;
	[sflag:s5] =	ssyncadd.s32 $0xFFFFFF00  }
0xe: {  	[tilespmem:s7], [sflag:$0x1] =	stream.indirect.gather [hbm4b:s1+s6], $0x80, s3, s6, $0xb8;
	[tilespmem:$0x6500] =	vst v63  }
0xf: {  	s9 =	simm.s32 $0x3300;
	s10 =	simm.s32 $0x1;
	s11 =	ssub.s32 $0x2, s11  }
0x10: {  	[tilespmem:s9], [sflag:$0x1] =	stream.indirect.gather [hbm4b:s1+s6], $0x80, s8, s6, $0xb8;
	[tilespmem:$0x6500] =	vst v63  }
0x11: {  	s14 =	sshrl.u32 s11, $0x1;
	_ =	swait.ge [sflag:s10], $0x3200  }
0x12: {  	s30 =	ssub.s32 s11, s14;
	[sflag:s10] =	ssyncset.done $0x0  }
0x13: {  	s12 =	smul.u32 $0xC80, s12;
	s31 =	smax.u32 s30, $0x1;
	[sflag:s10] =	ssyncadd.s32 $0xFFFFCE00  }
0x14: {  	p0 =	sne.s32 s31, $0x1;
	_ =	swait.ge [sflag:s10], $0x3200  }
.Ltmp0:
0x15: {  	s12 =	sadd.s32 s12, s13;
	[sflag:s10] =	ssyncset.done $0x0;
	(pc) =	sbr.rel @!p0 .LBB2_2-.Ltmp0, $4  }
0x16: {  	s11 =	sadd.s32 $0xE00, s12;
	[sflag:s10] =	ssyncadd.s32 $0xFFFFCE00  }
0x17: {  	[hbm4b:s11+s3] =	stream.linear.scatter [tilespmem:s7], [sflag:$0x2], $0x6400, $0x38;
	[tilespmem:$0x6500] =	vst v63  }
0x18: {  	_ =	swait.ge [sflag:s5], $0x6400  }
0x19: {  	s12 =	sadd.s32 $0xFFFFFFFF, s31;
	[sflag:s5] =	ssyncset.done $0x0  }
.LBB2_1:
0x1a: {  	p0 =	sne.s32 s12, $0x1;
	s12 =	sadd.s32 $0xFFFFFFFF, s12;
	[sflag:s5] =	ssyncadd.s32 $0xFFFF9C00  }
0x1b: {  	[tilespmem:s3], [sflag:$0x2] =	stream.linear.gather [hbm4b:s4+s3], $0x100, $0x38;
	[tilespmem:$0x6500] =	vst v63  }
0x1c: {  	_ =	swait.ge [sflag:s5], $0x100  }
0x1d: {  	[sflag:s5] =	ssyncset.done $0x0  }
0x1e: {  	[sflag:s5] =	ssyncadd.s32 $0xFFFFFF00  }
0x1f: {  	[tilespmem:s7], [sflag:$0x1] =	stream.indirect.gather [hbm4b:s1+s6], $0x80, s3, s6, $0xb8;
	[tilespmem:$0x6500] =	vst v63  }
0x20: {  	_ = 	snop  }
0x21: {  	[tilespmem:s9], [sflag:$0x1] =	stream.indirect.gather [hbm4b:s1+s6], $0x80, s8, s6, $0xb8;
	[tilespmem:$0x6500] =	vst v63  }
0x22: {  	_ =	swait.ge [sflag:s10], $0x3200  }
0x23: {  	[sflag:s10] =	ssyncset.done $0x0  }
0x24: {  	[sflag:s10] =	ssyncadd.s32 $0xFFFFCE00  }
0x25: {  	_ =	swait.ge [sflag:s10], $0x3200  }
.Ltmp1:
0x26: {  	[sflag:s10] =	ssyncset.done $0x0;
	(pc) =	sbr.rel @p0 .LBB2_1-.Ltmp1, $4  }
0x27: {  	[sflag:s10] =	ssyncadd.s32 $0xFFFFCE00  }
0x28: {  	[hbm4b:s11+s3] =	stream.linear.scatter [tilespmem:s7], [sflag:$0x2], $0x6400, $0x38;
	[tilespmem:$0x6500] =	vst v63  }
0x29: {  	_ =	swait.ge [sflag:s5], $0x6400  }
0x2a: {  	[sflag:s5] =	ssyncset.done $0x0  }
.LBB2_2:
0x2b: {  	[sflag:s5] =	ssyncadd.s32 $0xFFFF9C00  }
0x2c: {  	_ =	sfence.sel $0x180000  }
0x2d: {  	[bflag:$0x0] =	sbarrier.arrive $0xFFFF  }
0x2e: {  	p0 =	sne.s32 s0, $0x0;
	_ =	strace $0x90000047  }
0x2f: {  	s0 =	sadd.s32 @!p0 $0x100000, s2;
	[bflag:$0x2] =	sbarrier.arrive $0xFFFF  }
0x30: {  	[sflag:s0] =	ssyncadd.tile.s32 @!p0 $0x1;
	_ =	shalt  }
.Lfunc_end2:
_tile_overlayer_lowered:
.L_overlay_start_2:
0x31: {  	(tag) =	ssettag $0x2  }
0x32: {  	s0 =	rddreg [dreg:$0x0];
	s2 =	stileid.u32  }
0x33: {  	s1 =	rddreg [dreg:$0x1];
	p0 =	sne.s32 s2, $0x0  }
0x34: {  	s3 =	rddreg [dreg:$0x2];
	[bflag:$0x3] =	sbarrier.arrive $0xFFFF;
	s2 =	simm.s32 @!p0 $0x1C02  }
0x35: {  	[timem:s3], [sflag:s2] =	dma.local @!p0 [hbm:s0], s1  }
0x36: {  	s0 =	simm.s32 @!p0 $0x2  }
0x37: {  	_ =	swait.ge @!p0 [sflag:s0], s1  }
0x38: {  	s1 =	ssub.s32 @!p0 $0x0, s1;
	[sflag:s0] =	ssyncset.done @!p0 $0x0  }
0x39: {  	[sflag:s0] =	ssyncadd.s32 @!p0 s1  }
0x3a: {  	[bflag:$0x3] =	sbarrier.arrive $0xFFFF  }
0x3b: {  	_ =	shalt  }

</sc_bundles>
